<compile_context>
chip_gen: v7x
topology: tpu7x:2x2x1
jax: 0.10.2.dev20260603
libtpu: 0.0.44.dev20260713+nightly
codegen_flags: <defaults>
</compile_context>

<pallas_src>
import functools
import math

import jax
import jax.numpy as jnp
from jax import lax
from jax.experimental import pallas as pl
from jax.experimental.pallas import tpu as pltpu
from jax.experimental.pallas import tpu_sc as plsc

B = 1024
D = 32
DA = 40
N = 100000
G = 4
NG = N // G
TEMP = 0.05
LOG2E = math.log2(math.e)
SCALE = LOG2E / TEMP
LN2 = math.log(2.0)
TILE_N = 4096
NPAD = 102400
NT = NPAD // TILE_N

_NC, _NS = 2, 16
_NW = _NC * _NS
_BPW = B // _NW

_sc_mesh = plsc.VectorSubcoreMesh(
    core_axis_name="c", subcore_axis_name="s", num_cores=_NC
)


@functools.partial(
    pl.kernel,
    mesh=_sc_mesh,
    out_type=jax.ShapeDtypeStruct((B, G * D), jnp.float32),
    scratch_types=[
        pltpu.VMEM((_BPW,), jnp.int32),
        pltpu.VMEM((_BPW, G * D), jnp.float32),
        pltpu.SemaphoreType.DMA,
    ],
)
def _sc_gather(tbl_hbm, idx_hbm, out_hbm, idx_v, rows_v, sem):
    wid = lax.axis_index("s") * _NC + lax.axis_index("c")
    base = wid * _BPW
    pltpu.sync_copy(idx_hbm.at[pl.ds(base, _BPW)], idx_v)
    pltpu.async_copy(tbl_hbm.at[idx_v], rows_v, sem).wait()
    pltpu.sync_copy(rows_v, out_hbm.at[pl.ds(base, _BPW)])


def _shift2(x):
    xs = x * SCALE
    m2 = jnp.sqrt(jnp.sum(xs * xs, axis=1, keepdims=True))
    return m2.astype(jnp.bfloat16)


def _tc_body(x_ref, f_ref, s_out, xa_ref, fa_ref, s_ref):
    i = pl.program_id(0)

    @pl.when(i == 0)
    def _init():
        s_ref[...] = jnp.zeros((B, 1), jnp.float32)
        x = x_ref[...]
        xa_ref[:, :D] = (x * SCALE).astype(jnp.bfloat16)
        xa_ref[:, D:D + 1] = _shift2(x)
        xa_ref[:, D + 1:] = jnp.zeros((B, DA - D - 1), jnp.bfloat16)
        aug = lax.broadcasted_iota(jnp.int32, (DA - D, TILE_N), 0)
        fa_ref[D:, :] = jnp.where(aug == 0, -1.0, 0.0).astype(jnp.bfloat16)

    fa_ref[:D, :] = f_ref[...]
    l = lax.dot_general(
        xa_ref[...], fa_ref[...],
        dimension_numbers=(((1,), (0,)), ((), ())),
        preferred_element_type=jnp.float32,
    )
    s_ref[...] += jnp.sum(jnp.exp2(l), axis=1, keepdims=True)

    @pl.when(i == NT - 1)
    def _fini():
        s_out[...] = s_ref[...]


def _combine_body(s_ref, x_ref, g4_ref, trem_ref, out_ref):
    lane = lax.broadcasted_iota(jnp.int32, (B, G * D), 1)
    mask = (lane // D) == trem_ref[...]
    xrep = jnp.concatenate([x_ref[...]] * G, axis=1)
    prod = jnp.where(mask, g4_ref[...] * xrep, 0.0)
    tgt = jnp.sum(prod, axis=1, keepdims=True) * (1.0 / TEMP)
    shift = _shift2(x_ref[...]).astype(jnp.float32)
    s = s_ref[...]
    lse = jnp.where(s > 0, jnp.log(s) + shift * LN2, tgt)
    out_ref[0, 0] = jnp.sum(lse - tgt) * (1.0 / B)


@jax.jit
def _run(inputs, targets, features):
    targets = targets.astype(jnp.int32)
    tbl4 = features.reshape(NG, G * D)
    ftb = jnp.pad(features.T.astype(jnp.bfloat16), ((0, 0), (0, NPAD - N)))
    tgrp = targets // G
    trem = (targets % G)[:, None]
    g4 = _sc_gather(tbl4, tgrp)
    s = pl.pallas_call(
        _tc_body,
        grid=(NT,),
        in_specs=[
            pl.BlockSpec((B, D), lambda i: (0, 0)),
            pl.BlockSpec((D, TILE_N), lambda i: (0, i)),
        ],
        out_specs=pl.BlockSpec((B, 1), lambda i: (0, 0)),
        out_shape=jax.ShapeDtypeStruct((B, 1), jnp.float32),
        scratch_shapes=[
            pltpu.VMEM((B, DA), jnp.bfloat16),
            pltpu.VMEM((DA, TILE_N), jnp.bfloat16),
            pltpu.VMEM((B, 1), jnp.float32),
        ],
    )(inputs, ftb)
    out = pl.pallas_call(
        _combine_body,
        out_specs=pl.BlockSpec(memory_space=pltpu.SMEM),
        out_shape=jax.ShapeDtypeStruct((1, 1), jnp.float32),
    )(s, inputs, g4, trem)
    return out[0, 0]


def kernel(inputs, targets, features):
    return _run(inputs, targets, features)

# --- scband reference (transcript-rebuilt; emitter-appended) ---
"""Pipeline reference for scband-cluster-memory-30545807409979 (READ-ONLY COPY).

The authoritative reference and input builder live on the scoring server;
editing this copy changes nothing except your own understanding.
"""

import jax, jax.numpy as jnp
import numpy as np

NUM_FEATURES = 32
NUM_SAMPLES = 100000
BATCH = 1024
TEMP = 0.05


def setup_inputs(seed: int = 0) -> dict:
    key = jax.random.key(seed)
    k1, k2, k3 = jax.random.split(key, 3)
    inputs = jax.random.normal(k1, (BATCH, NUM_FEATURES), dtype=jnp.float32)
    targets = jax.random.randint(k2, (BATCH,), 0, NUM_SAMPLES, dtype=jnp.int64)
    # cluster memory bank (registered buffer in torch; initialized here as
    # L2-normalized random features, matching typical usage after cluster init)
    features = jax.random.normal(k3, (NUM_SAMPLES, NUM_FEATURES), dtype=jnp.float32)
    features = features / jnp.linalg.norm(features, axis=1, keepdims=True)
    return {"inputs": inputs, "targets": targets, "features": features}


def reference(inputs, targets, features):
    # CM_Hard.forward: outputs = inputs.mm(features.t())
    outputs = inputs @ features.T
    # ClusterMemory.forward: outputs /= temp; loss = F.cross_entropy(outputs, targets)
    logits = outputs / TEMP
    logp = jax.nn.log_softmax(logits, axis=-1)
    nll = -jnp.take_along_axis(logp, targets[:, None].astype(jnp.int32), axis=1).squeeze(1)
    loss = jnp.mean(nll)
    return loss

if __name__ == "__main__":
    import jax
    _d = setup_inputs()
    print(jax.jit(kernel)(*tuple(_d.values())))

</pallas_src>

<mosaic_0001>
#map = affine_map<(d0, d1) -> (0, 0)>
#map1 = affine_map<(d0, d1) -> (0)>
module attributes {stable_mosaic.version = 14 : i64} {
  func.func @_sc_gather(%arg0: i32, %arg1: i32, %arg2: memref<25000x128xf32, #tpu.memory_space<hbm>>, %arg3: memref<1024xi32, #tpu.memory_space<hbm>>, %arg4: memref<1024x128xf32, #tpu.memory_space<hbm>>, %arg5: memref<32xi32, #tpu.memory_space<vmem>>, %arg6: memref<32x128xf32, #tpu.memory_space<vmem>>, %arg7: memref<!tpu.dma_semaphore, #tpu.memory_space<semaphore_mem>>) attributes {dimension_semantics = [#tpu.dimension_semantics<core_parallel>, #tpu.dimension_semantics<subcore_parallel>], iteration_bounds = array<i64: 2, 16>, scalar_prefetch = 0 : i64, scratch_operands = 3 : i64, tpu.core_type = #tpu.core_type<sc_vector_subcore>, window_params = [{transform_indices = #map}, {transform_indices = #map1}, {transform_indices = #map}]} {
    %mul3A = arith.constant 2 : i32
    %mul3A_0 = arith.muli %arg1, %mul3A : i32
    %add3A = arith.addi %mul3A_0, %arg0 : i32
    %mul3A_1 = arith.constant 32 : i32
    %mul3A_2 = arith.muli %add3A, %mul3A_1 : i32
    "tpu.region"() ({
      %run_scoped3A = tpu.sem_alloc : memref<!tpu.dma_semaphore, #tpu.memory_space<semaphore_mem>>
      %dma_start3A_7 = tpu.memref_slice %arg3[%mul3A_2] : memref<1024xi32, #tpu.memory_space<hbm>> -> memref<32xi32, #tpu.memory_space<hbm>>
      %dma_start3A_8 = tpu.memref_slice %arg3[%mul3A_2] : memref<1024xi32, #tpu.memory_space<hbm>> -> memref<32xi32, #tpu.memory_space<hbm>>
      tpu.enqueue_dma source(%dma_start3A_8 : memref<32xi32, #tpu.memory_space<hbm>>) target(%arg5 : memref<32xi32, #tpu.memory_space<vmem>>) target_semaphore(%run_scoped3A : memref<!tpu.dma_semaphore, #tpu.memory_space<semaphore_mem>>)
      %dma_wait3A_9 = tpu.memref_slice %arg3[%mul3A_2] : memref<1024xi32, #tpu.memory_space<hbm>> -> memref<32xi32, #tpu.memory_space<hbm>>
      %dma_wait3A_10 = tpu.memref_slice %arg3[%mul3A_2] : memref<1024xi32, #tpu.memory_space<hbm>> -> memref<32xi32, #tpu.memory_space<hbm>>
      tpu.wait_dma2 semaphore(%run_scoped3A : memref<!tpu.dma_semaphore, #tpu.memory_space<semaphore_mem>>) src(%dma_wait3A_10 : memref<32xi32, #tpu.memory_space<hbm>>) dst(%arg5 : memref<32xi32, #tpu.memory_space<vmem>>)
      tpu.yield
    }) : () -> ()
    %dma_start3A = arith.constant 0 : i32
    %dma_start3A_3 = arith.constant 0 : i32
    %dma_start3A_4 = tpu.memref_slice %arg2[%dma_start3A, %dma_start3A_3] : memref<25000x128xf32, #tpu.memory_space<hbm>> -> memref<25000x128xf32, #tpu.memory_space<hbm>>
    tpu.enqueue_indirect_dma source(%dma_start3A_4 : memref<25000x128xf32, #tpu.memory_space<hbm>>) target(%arg6 : memref<32x128xf32, #tpu.memory_space<vmem>>) offsets(%arg5 : memref<32xi32, #tpu.memory_space<vmem>>) semaphore(%arg7 : memref<!tpu.dma_semaphore, #tpu.memory_space<semaphore_mem>>)
    %dma_wait3A = arith.constant 0 : i32
    %dma_wait3A_5 = arith.constant 0 : i32
    %dma_wait3A_6 = tpu.memref_slice %arg2[%dma_wait3A, %dma_wait3A_5] : memref<25000x128xf32, #tpu.memory_space<hbm>> -> memref<25000x128xf32, #tpu.memory_space<hbm>>
    tpu.wait_indirect_dma semaphore(%arg7 : memref<!tpu.dma_semaphore, #tpu.memory_space<semaphore_mem>>) src(%dma_wait3A_6 : memref<25000x128xf32, #tpu.memory_space<hbm>>) dst(%arg6 : memref<32x128xf32, #tpu.memory_space<vmem>>)
    "tpu.region"() ({
      %run_scoped3A = tpu.sem_alloc : memref<!tpu.dma_semaphore, #tpu.memory_space<semaphore_mem>>
      %dma_start3A_7 = arith.constant 0 : i32
      %dma_start3A_8 = tpu.memref_slice %arg4[%mul3A_2, %dma_start3A_7] : memref<1024x128xf32, #tpu.memory_space<hbm>> -> memref<32x128xf32, #tpu.memory_space<hbm>>
      %dma_start3A_9 = arith.constant 0 : i32
      %dma_start3A_10 = tpu.memref_slice %arg4[%mul3A_2, %dma_start3A_9] : memref<1024x128xf32, #tpu.memory_space<hbm>> -> memref<32x128xf32, #tpu.memory_space<hbm>>
      tpu.enqueue_dma source(%arg6 : memref<32x128xf32, #tpu.memory_space<vmem>>) target(%dma_start3A_10 : memref<32x128xf32, #tpu.memory_space<hbm>>) target_semaphore(%run_scoped3A : memref<!tpu.dma_semaphore, #tpu.memory_space<semaphore_mem>>)
      %dma_wait3A_11 = arith.constant 0 : i32
      %dma_wait3A_12 = tpu.memref_slice %arg4[%mul3A_2, %dma_wait3A_11] : memref<1024x128xf32, #tpu.memory_space<hbm>> -> memref<32x128xf32, #tpu.memory_space<hbm>>
      %dma_wait3A_13 = arith.constant 0 : i32
      %dma_wait3A_14 = tpu.memref_slice %arg4[%mul3A_2, %dma_wait3A_13] : memref<1024x128xf32, #tpu.memory_space<hbm>> -> memref<32x128xf32, #tpu.memory_space<hbm>>
      tpu.wait_dma2 semaphore(%run_scoped3A : memref<!tpu.dma_semaphore, #tpu.memory_space<semaphore_mem>>) src(%arg6 : memref<32x128xf32, #tpu.memory_space<vmem>>) dst(%dma_wait3A_14 : memref<32x128xf32, #tpu.memory_space<hbm>>)
      tpu.yield
    }) : () -> ()
    return
  }
}

module attributes {stable_mosaic.version = 14 : i64} {
  func.func @_tc_body(%arg0: i32, %arg1: memref<1024x32xf32, #tpu.memory_space<vmem>>, %arg2: memref<32x4096xbf16, #tpu.memory_space<vmem>>, %arg3: memref<1024x1xf32, #tpu.memory_space<vmem>>, %arg4: memref<1024x40xbf16, #tpu.memory_space<vmem>>, %arg5: memref<40x4096xbf16, #tpu.memory_space<vmem>>, %arg6: memref<1024x1xf32, #tpu.memory_space<vmem>>) attributes {dimension_semantics = [#tpu.dimension_semantics<arbitrary>], iteration_bounds = array<i64: 25>, scalar_prefetch = 0 : i64, scratch_operands = 3 : i64, tpu.core_type = #tpu.core_type<tc>, window_params = [{pipeline_mode = #tpu.pipeline_mode<synchronous>, transform_indices = @transform_0, window_bounds = array<i64: 1024, 32>}, {transform_indices = @transform_1, window_bounds = array<i64: 32, 4096>}, {pipeline_mode = #tpu.pipeline_mode<synchronous>, transform_indices = @transform_2, window_bounds = array<i64: 1024, 1>}]} {
    %eq3A = arith.constant 0 : i32
    %eq3A_0 = arith.cmpi eq, %arg0, %eq3A : i32
    %convert_element_type3A = arith.extui %eq3A_0 : i1 to i32
    %cond3A = arith.constant 0 : i32
    %cond3A_1 = arith.cmpi ne, %convert_element_type3A, %cond3A : i32
    scf.if %cond3A_1 {
      %broadcast_in_dim3A_25 = arith.constant 0.000000e+00 : f32
      %broadcast_in_dim3A_26 = vector.broadcast %broadcast_in_dim3A_25 : f32 to vector<1024x1xf32>
      %swap3A_27 = arith.constant 0 : index
      %swap3A_28 = arith.constant 0 : index
      %swap3A_29 = vector.load %arg6[%swap3A_27, %swap3A_28] : memref<1024x1xf32, #tpu.memory_space<vmem>>, vector<1024x1xf32>
      tpu.vector_store %arg6[%swap3A_27, %swap3A_28], %broadcast_in_dim3A_26 {strides = array<i32>} : memref<1024x1xf32, #tpu.memory_space<vmem>>, vector<1024x1xf32>,
      %get3A_30 = arith.constant 0 : index
      %get3A_31 = arith.constant 0 : index
      %get3A_32 = vector.load %arg1[%get3A_30, %get3A_31] : memref<1024x32xf32, #tpu.memory_space<vmem>>, vector<1024x32xf32>
      %mul3A = arith.constant 2.885390e+01 : f32
      %mul3A_33 = vector.broadcast %mul3A : f32 to vector<1024x32xf32>
      %mul3A_34 = arith.mulf %get3A_32, %mul3A_33 : vector<1024x32xf32>
      %convert_element_type3A_35 = arith.truncf %mul3A_34 : vector<1024x32xf32> to vector<1024x32xbf16>
      %swap3A_36 = arith.constant 0 : index
      %swap3A_37 = arith.constant 0 : index
      %swap3A_38 = vector.load %arg4[%swap3A_36, %swap3A_37] : memref<1024x40xbf16, #tpu.memory_space<vmem>>, vector<1024x32xbf16>
      tpu.vector_store %arg4[%swap3A_36, %swap3A_37], %convert_element_type3A_35 {strides = array<i32>} : memref<1024x40xbf16, #tpu.memory_space<vmem>>, vector<1024x32xbf16>,
      %mul3A_39 = arith.constant 2.885390e+01 : f32
      %mul3A_40 = vector.broadcast %mul3A_39 : f32 to vector<1024x32xf32>
      %mul3A_41 = arith.mulf %get3A_32, %mul3A_40 : vector<1024x32xf32>
      %mul3A_42 = arith.mulf %mul3A_41, %mul3A_41 : vector<1024x32xf32>
      %reduce_sum3A_43 = arith.constant dense<0.000000e+00> : vector<1024xf32>
      %reduce_sum3A_44 = vector.multi_reduction <add>, %mul3A_42, %reduce_sum3A_43 [1] : vector<1024x32xf32> to vector<1024xf32>
      %broadcast_in_dim3A_45 = vector.shape_cast %reduce_sum3A_44 : vector<1024xf32> to vector<1024x1xf32>
      %sqrt3A = math.sqrt %broadcast_in_dim3A_45 : vector<1024x1xf32>
      %convert_element_type3A_46 = arith.truncf %sqrt3A : vector<1024x1xf32> to vector<1024x1xbf16>
      %swap3A_47 = arith.constant 0 : index
      %swap3A_48 = arith.constant 32 : index
      %swap3A_49 = vector.load %arg4[%swap3A_47, %swap3A_48] : memref<1024x40xbf16, #tpu.memory_space<vmem>>, vector<1024x1xbf16>
      tpu.vector_store %arg4[%swap3A_47, %swap3A_48], %convert_element_type3A_46 {strides = array<i32>} : memref<1024x40xbf16, #tpu.memory_space<vmem>>, vector<1024x1xbf16>,
      %broadcast_in_dim3A_50 = arith.constant 0.000000e+00 : bf16
      %broadcast_in_dim3A_51 = vector.broadcast %broadcast_in_dim3A_50 : bf16 to vector<1024x7xbf16>
      %swap3A_52 = arith.constant 0 : index
      %swap3A_53 = arith.constant 33 : index
      %swap3A_54 = vector.load %arg4[%swap3A_52, %swap3A_53] : memref<1024x40xbf16, #tpu.memory_space<vmem>>, vector<1024x7xbf16>
      tpu.vector_store %arg4[%swap3A_52, %swap3A_53], %broadcast_in_dim3A_51 {strides = array<i32>} : memref<1024x40xbf16, #tpu.memory_space<vmem>>, vector<1024x7xbf16>,
      %iota3A = tpu.iota {dimensions = array<i32: 0>} : vector<8x4096xi32>
      %eq3A_55 = arith.constant 0 : i32
      %eq3A_56 = vector.broadcast %eq3A_55 : i32 to vector<8x4096xi32>
      %eq3A_57 = arith.cmpi eq, %iota3A, %eq3A_56 : vector<8x4096xi32>
      %jit3A = arith.constant -1.000000e+00 : f32
      %jit3A_58 = arith.constant 0.000000e+00 : f32
      %broadcast_in_dim3A_59 = vector.broadcast %jit3A : f32 to vector<8x4096xf32>
      %broadcast_in_dim3A_60 = vector.broadcast %jit3A_58 : f32 to vector<8x4096xf32>
      %select_n3A = arith.select %eq3A_57, %broadcast_in_dim3A_59, %broadcast_in_dim3A_60 : vector<8x4096xi1>, vector<8x4096xf32>
      %convert_element_type3A_61 = arith.truncf %select_n3A : vector<8x4096xf32> to vector<8x4096xbf16>
      %swap3A_62 = arith.constant 32 : index
      %swap3A_63 = arith.constant 0 : index
      %swap3A_64 = vector.load %arg5[%swap3A_62, %swap3A_63] : memref<40x4096xbf16, #tpu.memory_space<vmem>>, vector<8x4096xbf16>
      tpu.vector_store %arg5[%swap3A_62, %swap3A_63], %convert_element_type3A_61 {strides = array<i32>} : memref<40x4096xbf16, #tpu.memory_space<vmem>>, vector<8x4096xbf16>,
    } else {
    }
    %get3A = arith.constant 0 : index
    %get3A_2 = arith.constant 0 : index
    %get3A_3 = vector.load %arg2[%get3A, %get3A_2] : memref<32x4096xbf16, #tpu.memory_space<vmem>>, vector<32x4096xbf16>
    %swap3A = arith.constant 0 : index
    %swap3A_4 = arith.constant 0 : index
    %swap3A_5 = vector.load %arg5[%swap3A, %swap3A_4] : memref<40x4096xbf16, #tpu.memory_space<vmem>>, vector<32x4096xbf16>
    tpu.vector_store %arg5[%swap3A, %swap3A_4], %get3A_3 {strides = array<i32>} : memref<40x4096xbf16, #tpu.memory_space<vmem>>, vector<32x4096xbf16>,
    %get3A_6 = arith.constant 0 : index
    %get3A_7 = arith.constant 0 : index
    %get3A_8 = vector.load %arg4[%get3A_6, %get3A_7] : memref<1024x40xbf16, #tpu.memory_space<vmem>>, vector<1024x40xbf16>
    %get3A_9 = arith.constant 0 : index
    %get3A_10 = arith.constant 0 : index
    %get3A_11 = vector.load %arg5[%get3A_9, %get3A_10] : memref<40x4096xbf16, #tpu.memory_space<vmem>>, vector<40x4096xbf16>
    %dot_general3A = arith.constant dense<0.000000e+00> : vector<1024x4096xf32>
    %dot_general3A_12 = tpu.matmul %get3A_8, %get3A_11, %dot_general3A {dimension_numbers = #tpu.dot_dimension_numbers<[1], [0], [0], [1], [0, 0, 1, 1], [], []>, transpose_lhs_hint = false} : vector<1024x40xbf16>, vector<40x4096xbf16>, vector<1024x4096xf32> -> vector<1024x4096xf32>
    %get3A_13 = arith.constant 0 : index
    %get3A_14 = arith.constant 0 : index
    %get3A_15 = vector.load %arg6[%get3A_13, %get3A_14] : memref<1024x1xf32, #tpu.memory_space<vmem>>, vector<1024x1xf32>
    %exp23A = math.exp2 %dot_general3A_12 : vector<1024x4096xf32>
    %reduce_sum3A = arith.constant dense<0.000000e+00> : vector<1024xf32>
    %reduce_sum3A_16 = vector.multi_reduction <add>, %exp23A, %reduce_sum3A [1] : vector<1024x4096xf32> to vector<1024xf32>
    %broadcast_in_dim3A = vector.shape_cast %reduce_sum3A_16 : vector<1024xf32> to vector<1024x1xf32>
    %add3A = arith.addf %get3A_15, %broadcast_in_dim3A : vector<1024x1xf32>
    %swap3A_17 = arith.constant 0 : index
    %swap3A_18 = arith.constant 0 : index
    %swap3A_19 = vector.load %arg6[%swap3A_17, %swap3A_18] : memref<1024x1xf32, #tpu.memory_space<vmem>>, vector<1024x1xf32>
    tpu.vector_store %arg6[%swap3A_17, %swap3A_18], %add3A {strides = array<i32>} : memref<1024x1xf32, #tpu.memory_space<vmem>>, vector<1024x1xf32>,
    %eq3A_20 = arith.constant 24 : i32
    %eq3A_21 = arith.cmpi eq, %arg0, %eq3A_20 : i32
    %convert_element_type3A_22 = arith.extui %eq3A_21 : i1 to i32
    %cond3A_23 = arith.constant 0 : i32
    %cond3A_24 = arith.cmpi ne, %convert_element_type3A_22, %cond3A_23 : i32
    scf.if %cond3A_24 {
      %get3A_25 = arith.constant 0 : index
      %get3A_26 = arith.constant 0 : index
      %get3A_27 = vector.load %arg6[%get3A_25, %get3A_26] : memref<1024x1xf32, #tpu.memory_space<vmem>>, vector<1024x1xf32>
      %swap3A_28 = arith.constant 0 : index
      %swap3A_29 = arith.constant 0 : index
      %swap3A_30 = vector.load %arg3[%swap3A_28, %swap3A_29] : memref<1024x1xf32, #tpu.memory_space<vmem>>, vector<1024x1xf32>
      tpu.vector_store %arg3[%swap3A_28, %swap3A_29], %get3A_27 {strides = array<i32>} : memref<1024x1xf32, #tpu.memory_space<vmem>>, vector<1024x1xf32>,
    } else {
    }
    return
  }
  func.func @transform_0(%arg0: i32) -> (i32, i32) {
    %c0_i32 = arith.constant 0 : i32
    %c0_i32_0 = arith.constant 0 : i32
    %c0_i32_1 = arith.constant 0 : i32
    return %c0_i32, %c0_i32_0 : i32, i32
  }
  func.func @transform_1(%arg0: i32) -> (i32, i32) {
    %c0_i32 = arith.constant 0 : i32
    %c0_i32_0 = arith.constant 0 : i32
    return %c0_i32, %arg0 : i32, i32
  }
  func.func @transform_2(%arg0: i32) -> (i32, i32) {
    %c0_i32 = arith.constant 0 : i32
    %c0_i32_0 = arith.constant 0 : i32
    %c0_i32_1 = arith.constant 0 : i32
    return %c0_i32, %c0_i32_0 : i32, i32
  }
}

module attributes {stable_mosaic.version = 14 : i64} {
  func.func @_combine_body(%arg0: memref<1024x1xf32, #tpu.memory_space<vmem>>, %arg1: memref<1024x32xf32, #tpu.memory_space<vmem>>, %arg2: memref<1024x128xf32, #tpu.memory_space<vmem>>, %arg3: memref<1024x1xi32, #tpu.memory_space<vmem>>, %arg4: memref<1x1xf32, #tpu.memory_space<smem>>) attributes {dimension_semantics = [], scalar_prefetch = 0 : i64, scratch_operands = 0 : i64, tpu.core_type = #tpu.core_type<tc>} {
    %iota3A = tpu.iota {dimensions = array<i32: 1>} : vector<1024x128xi32>
    %jit3A = arith.constant 32 : i32
    %div3A = vector.broadcast %jit3A : i32 to vector<1024x128xi32>
    %div3A_0 = arith.divsi %iota3A, %div3A : vector<1024x128xi32>
    %sign3A = arith.constant 0 : i32
    %sign3A_1 = vector.broadcast %sign3A : i32 to vector<1024x128xi32>
    %sign3A_2 = arith.cmpi sgt, %iota3A, %sign3A_1 : vector<1024x128xi32>
    %sign3A_3 = arith.extui %sign3A_2 : vector<1024x128xi1> to vector<1024x128xi32>
    %sign3A_4 = arith.constant 0 : i32
    %sign3A_5 = vector.broadcast %sign3A_4 : i32 to vector<1024x128xi32>
    %sign3A_6 = arith.cmpi slt, %iota3A, %sign3A_5 : vector<1024x128xi32>
    %sign3A_7 = arith.extui %sign3A_6 : vector<1024x128xi1> to vector<1024x128xi32>
    %sign3A_8 = arith.subi %sign3A_3, %sign3A_7 : vector<1024x128xi32>
    %sign3A_9 = arith.constant 0 : i32
    %sign3A_10 = arith.cmpi sgt, %jit3A, %sign3A_9 : i32
    %sign3A_11 = arith.extui %sign3A_10 : i1 to i32
    %sign3A_12 = arith.constant 0 : i32
    %sign3A_13 = arith.cmpi slt, %jit3A, %sign3A_12 : i32
    %sign3A_14 = arith.extui %sign3A_13 : i1 to i32
    %sign3A_15 = arith.subi %sign3A_11, %sign3A_14 : i32
    %ne3A = vector.broadcast %sign3A_15 : i32 to vector<1024x128xi32>
    %ne3A_16 = arith.cmpi ne, %sign3A_8, %ne3A : vector<1024x128xi32>
    %rem3A = vector.broadcast %jit3A : i32 to vector<1024x128xi32>
    %rem3A_17 = arith.remsi %iota3A, %rem3A : vector<1024x128xi32>
    %ne3A_18 = arith.constant 0 : i32
    %ne3A_19 = vector.broadcast %ne3A_18 : i32 to vector<1024x128xi32>
    %ne3A_20 = arith.cmpi ne, %rem3A_17, %ne3A_19 : vector<1024x128xi32>
    %and3A = arith.andi %ne3A_16, %ne3A_20 : vector<1024x128xi1>
    %sub3A = arith.constant 1 : i32
    %sub3A_21 = vector.broadcast %sub3A : i32 to vector<1024x128xi32>
    %sub3A_22 = arith.subi %div3A_0, %sub3A_21 : vector<1024x128xi32>
    %select_n3A = arith.select %and3A, %sub3A_22, %div3A_0 : vector<1024x128xi1>, vector<1024x128xi32>
    %get3A = arith.constant 0 : index
    %get3A_23 = arith.constant 0 : index
    %get3A_24 = vector.load %arg3[%get3A, %get3A_23] : memref<1024x1xi32, #tpu.memory_space<vmem>>, vector<1024x1xi32>
    %eq3A = vector.broadcast %get3A_24 : vector<1024x1xi32> to vector<1024x128xi32>
    %eq3A_25 = arith.cmpi eq, %select_n3A, %eq3A : vector<1024x128xi32>
    %get3A_26 = arith.constant 0 : index
    %get3A_27 = arith.constant 0 : index
    %get3A_28 = vector.load %arg1[%get3A_26, %get3A_27] : memref<1024x32xf32, #tpu.memory_space<vmem>>, vector<1024x32xf32>
    %concatenate3A = tpu.concatenate %get3A_28, %get3A_28, %get3A_28, %get3A_28 in 1 : vector<1024x32xf32>, vector<1024x32xf32>, vector<1024x32xf32>, vector<1024x32xf32> -> vector<1024x128xf32>
    %get3A_29 = arith.constant 0 : index
    %get3A_30 = arith.constant 0 : index
    %get3A_31 = vector.load %arg2[%get3A_29, %get3A_30] : memref<1024x128xf32, #tpu.memory_space<vmem>>, vector<1024x128xf32>
    %mul3A = arith.mulf %get3A_31, %concatenate3A : vector<1024x128xf32>
    %jit3A_32 = arith.constant 0.000000e+00 : f32
    %broadcast_in_dim3A = vector.broadcast %jit3A_32 : f32 to vector<1024x128xf32>
    %select_n3A_33 = arith.select %eq3A_25, %mul3A, %broadcast_in_dim3A : vector<1024x128xi1>, vector<1024x128xf32>
    %reduce_sum3A = arith.constant dense<0.000000e+00> : vector<1024xf32>
    %reduce_sum3A_34 = vector.multi_reduction <add>, %select_n3A_33, %reduce_sum3A [1] : vector<1024x128xf32> to vector<1024xf32>
    %broadcast_in_dim3A_35 = vector.shape_cast %reduce_sum3A_34 : vector<1024xf32> to vector<1024x1xf32>
    %mul3A_36 = arith.constant 2.000000e+01 : f32
    %mul3A_37 = vector.broadcast %mul3A_36 : f32 to vector<1024x1xf32>
    %mul3A_38 = arith.mulf %broadcast_in_dim3A_35, %mul3A_37 : vector<1024x1xf32>
    %get3A_39 = arith.constant 0 : index
    %get3A_40 = arith.constant 0 : index
    %get3A_41 = vector.load %arg1[%get3A_39, %get3A_40] : memref<1024x32xf32, #tpu.memory_space<vmem>>, vector<1024x32xf32>
    %mul3A_42 = arith.constant 2.885390e+01 : f32
    %mul3A_43 = vector.broadcast %mul3A_42 : f32 to vector<1024x32xf32>
    %mul3A_44 = arith.mulf %get3A_41, %mul3A_43 : vector<1024x32xf32>
    %mul3A_45 = arith.mulf %mul3A_44, %mul3A_44 : vector<1024x32xf32>
    %reduce_sum3A_46 = arith.constant dense<0.000000e+00> : vector<1024xf32>
    %reduce_sum3A_47 = vector.multi_reduction <add>, %mul3A_45, %reduce_sum3A_46 [1] : vector<1024x32xf32> to vector<1024xf32>
    %broadcast_in_dim3A_48 = vector.shape_cast %reduce_sum3A_47 : vector<1024xf32> to vector<1024x1xf32>
    %sqrt3A = math.sqrt %broadcast_in_dim3A_48 : vector<1024x1xf32>
    %convert_element_type3A = arith.truncf %sqrt3A : vector<1024x1xf32> to vector<1024x1xbf16>
    %convert_element_type3A_49 = arith.extf %convert_element_type3A : vector<1024x1xbf16> to vector<1024x1xf32>
    %get3A_50 = arith.constant 0 : index
    %get3A_51 = arith.constant 0 : index
    %get3A_52 = vector.load %arg0[%get3A_50, %get3A_51] : memref<1024x1xf32, #tpu.memory_space<vmem>>, vector<1024x1xf32>
    %gt3A = arith.constant 0.000000e+00 : f32
    %gt3A_53 = vector.broadcast %gt3A : f32 to vector<1024x1xf32>
    %gt3A_54 = arith.cmpf ogt, %get3A_52, %gt3A_53 : vector<1024x1xf32>
    %log3A = math.log %get3A_52 : vector<1024x1xf32>
    %mul3A_55 = arith.constant 0.693147182 : f32
    %mul3A_56 = vector.broadcast %mul3A_55 : f32 to vector<1024x1xf32>
    %mul3A_57 = arith.mulf %convert_element_type3A_49, %mul3A_56 : vector<1024x1xf32>
    %add3A = arith.addf %log3A, %mul3A_57 : vector<1024x1xf32>
    %select_n3A_58 = arith.select %gt3A_54, %add3A, %mul3A_38 : vector<1024x1xi1>, vector<1024x1xf32>
    %sub3A_59 = arith.subf %select_n3A_58, %mul3A_38 : vector<1024x1xf32>
    %reduce_sum3A_60 = vector.shape_cast %sub3A_59 : vector<1024x1xf32> to vector<1x1024x1xf32>
    %reduce_sum3A_61 = arith.constant dense<0.000000e+00> : vector<1xf32>
    %reduce_sum3A_62 = vector.multi_reduction <add>, %reduce_sum3A_60, %reduce_sum3A_61 [1, 2] : vector<1x1024x1xf32> to vector<1xf32>
    %reduce_sum3A_63 = vector.shape_cast %reduce_sum3A_62 : vector<1xf32> to vector<1x1x1xf32>
    %reduce_sum3A_64 = vector.extract %reduce_sum3A_63[0, 0, 0] : f32 from vector<1x1x1xf32>
    %mul3A_65 = arith.constant 9.765625E-4 : f32
    %mul3A_66 = arith.mulf %reduce_sum3A_64, %mul3A_65 : f32
    %swap3A = arith.constant 0 : index
    %swap3A_67 = arith.constant 0 : index
    %swap3A_68 = memref.load %arg4[%swap3A, %swap3A_67] : memref<1x1xf32, #tpu.memory_space<smem>>
    memref.store %mul3A_66, %arg4[%swap3A, %swap3A_67] : memref<1x1xf32, #tpu.memory_space<smem>>
    return
  }
}

</mosaic_0001>

<sc_bundles>
// kernel: _run.5.cloned.1.call-start
scs
__scs_entry_jumppad:
0x0: {  	(pc) =	sbr.rel $0x88, $3  }
0x1: {  	(tag) =	ssettag $0x0;
	lr =	simm.s32 $0x1  }
0x2: {  	[smem:$0x3F9E] =	sst lr;
	_ =	strace $0xD0000000  }
0x3: {  	_ = 	snop  }
0x4: {  	_ = 	snop  }
0x5: {  	_ = 	snop  }
0x6: {  	_ = 	snop  }
0x7: {  	_ = 	snop  }
__scs_overlays_trampoline_lowered:
0x8: {  	[smem:$0x3FAD] =	sst s0  }
0x9: {  	[smem:$0x3FAE] =	sst s1  }
0xa: {  	[smem:$0x3FAF] =	sst s2  }
0xb: {  	[smem:$0x3FB0] =	sst s3  }
0xc: {  	[smem:$0x3FB1] =	sst s4  }
0xd: {  	[smem:$0x3FB2] =	sst s5  }
0xe: {  	[smem:$0x3FB3] =	sst s6  }
0xf: {  	[smem:$0x3FB4] =	sst s7  }
0x10: {  	[smem:$0x3FB5] =	sst s8  }
0x11: {  	[smem:$0x3FB6] =	sst s9;
	s0 =	simm.s32 @!p0 $0x0  }
0x12: {  	s1 =	sld [smem:$0x3F9C];
	s0 =	simm.s32 @p0 $0x1  }
0x13: {  	[smem:$0x3FB7] =	sst s0;
	s0 =	simm.s32 @!p1 $0x0  }
0x14: {  	s2 =	sld [smem:$0x3F9B];
	s0 =	simm.s32 @p1 $0x1  }
0x15: {  	[smem:$0x3FB8] =	sst s0;
	s0 =	simm.s32 @!p2 $0x0  }
0x16: {  	s3 =	sld [smem:$0x3FDB];
	s0 =	simm.s32 @p2 $0x1  }
0x17: {  	s4 =	simm.s32 $0x1BF5;
	[smem:$0x3FBA] =	sst s0  }
0x18: {  	s0 =	sld [smem:$0x3F9D];
	_ =	swait.ge [sflag:s4], $0x0  }
0x19: {  	s7 =	sld [smem:$0x3F9E]  }
0x1a: {  	s8 =	sadd.s32 $0xFFFFE003, lr  }
0x1b: {  	s9 =	sadd.s32 $0xFFFFFEF7, lr;
	s5 =	simm.s32 $0xFFFFFFFF;
	p2 =	slt.u32 s8, $0xFFFFF086  }
0x1c: {  	p1 =	slt.u32 s9, $0xF7A;
	s5 =	simm.s32 @!p2 $0x0  }
0x1d: {  	s5 =	simm.s32 @p1 $0x1;
	p0 =	seq.s32 s7, s2  }
0x1e: {  	s7 =	smul.u32 @!p0 $0xF7A, s2;
	p2 =	seq.s32 @!p0 s5, $0x0  }
0x1f: {  	s9 =	smul.u32 $0xF7A, s1;
	s8 =	simm.s32 @!p0 $0x1BF5;
	p2 =	por !p2, p0  }
0x20: {  	[sflag:s8] =	ssyncset.s32 @!p0 $0xFFFFF086;
	s6 =	sadd.s32 @!p0 s3, s7;
	s7 =	simm.s32 @!p0 $0x108  }
0x21: {  	s3 =	sadd.s32 s3, s9;
	s6 =	sadd.s32 @!p0 $0x88, s6;
	s7 =	simm.s32 @p2 $0x1082  }
0x22: {  	[simem:s7], [sflag:s8] =	dma.local @!p0 [hbm:s6], $0xF7A  }
0x23: {  	s9 =	sor.u32 $0xD0000000, s2;
	s6 =	simm.s32 $0x108;
	_ =	swait.ge @!p0 [sflag:s8], $0x0  }
0x24: {  	s3 =	sadd.s32 $0x88, s3;
	s6 =	simm.s32 @!p1 $0x1082;
	[sflag:s4] =	ssyncset.s32 $0xFFFFF086  }
0x25: {  	[simem:s6], [sflag:s4] =	dma.local [hbm:s3], $0xF7A  }
0x26: {  	[smem:$0x3F9E] =	sst s1;
	(tag) =	ssettag s2;
	_ =	strace s9  }
0x27: {  	s1 =	sld [smem:$0x3FAE]  }
0x28: {  	s2 =	sld [smem:$0x3FAF]  }
0x29: {  	s4 =	sld [smem:$0x3FB1]  }
0x2a: {  	p0 =	seq.s32 s5, $0x0;
	s5 =	sld [smem:$0x3FB2]  }
0x2b: {  	s6 =	sld [smem:$0x3FB3]  }
0x2c: {  	s7 =	sld [smem:$0x3FB4]  }
0x2d: {  	s3 =	simm.s32 $0x108;
	s8 =	sld [smem:$0x3FB5]  }
0x2e: {  	s3 =	simm.s32 @!p0 $0x1082;
	s9 =	sld [smem:$0x3FB6]  }
0x2f: {  	lr =	sadd.s32 s0, s3;
	s0 =	sld [smem:$0x3FAD]  }
0x30: {  	s3 =	sld [smem:$0x3FB0]  }
0x31: {  	[smem:$0x3FB9] =	sst s10  }
0x32: {  	s10 =	sld [smem:$0x3FB7];
	_ =	sdelay $0x3  }
0x33: {  	p0 =	seq.s32 s10, $0x1;
	s10 =	sld [smem:$0x3FB9];
	_ =	sdelay $0x3  }
0x34: {  	[smem:$0x3FB9] =	sst s10  }
0x35: {  	s10 =	sld [smem:$0x3FB8];
	_ =	sdelay $0x3  }
0x36: {  	p1 =	seq.s32 s10, $0x1;
	s10 =	sld [smem:$0x3FB9];
	_ =	sdelay $0x3  }
0x37: {  	[smem:$0x3FB9] =	sst s10  }
0x38: {  	s10 =	sld [smem:$0x3FBA]  }
0x39: {  	_ = 	snop;
	(pc) =	sbr.ind lr, $3  }
0x3a: {  	_ = 	snop  }
0x3b: {  	_ = 	snop  }
0x3c: {  	p2 =	seq.s32 s10, $0x1;
	s10 =	sld [smem:$0x3FB9]  }
0x3d: {  	_ =	shalt  }
0x3e: {  	_ =	shalt  }
0x3f: {  	_ =	shalt  }
0x40: {  	_ =	shalt  }
0x41: {  	_ =	shalt  }
0x42: {  	_ =	shalt  }
0x43: {  	_ =	shalt  }
0x44: {  	_ =	shalt  }
0x45: {  	_ =	shalt  }
0x46: {  	_ =	shalt  }
0x47: {  	_ =	shalt  }
0x48: {  	_ =	shalt  }
0x49: {  	_ =	shalt  }
0x4a: {  	_ =	shalt  }
0x4b: {  	_ =	shalt  }
0x4c: {  	_ =	shalt  }
0x4d: {  	_ =	shalt  }
0x4e: {  	_ =	shalt  }
0x4f: {  	_ =	shalt  }
0x50: {  	_ =	shalt  }
0x51: {  	_ =	shalt  }
0x52: {  	_ =	shalt  }
0x53: {  	_ =	shalt  }
0x54: {  	_ =	shalt  }
0x55: {  	_ =	shalt  }
0x56: {  	_ =	shalt  }
0x57: {  	_ =	shalt  }
0x58: {  	_ =	shalt  }
0x59: {  	_ =	shalt  }
0x5a: {  	_ =	shalt  }
0x5b: {  	_ =	shalt  }
0x5c: {  	_ =	shalt  }
0x5d: {  	_ =	shalt  }
0x5e: {  	_ =	shalt  }
0x5f: {  	_ =	shalt  }
0x60: {  	_ =	shalt  }
0x61: {  	_ =	shalt  }
0x62: {  	_ =	shalt  }
0x63: {  	_ =	shalt  }
0x64: {  	_ =	shalt  }
0x65: {  	_ =	shalt  }
0x66: {  	_ =	shalt  }
0x67: {  	_ =	shalt  }
0x68: {  	_ =	shalt  }
0x69: {  	_ =	shalt  }
0x6a: {  	_ =	shalt  }
0x6b: {  	_ =	shalt  }
0x6c: {  	_ =	shalt  }
0x6d: {  	_ =	shalt  }
0x6e: {  	_ =	shalt  }
0x6f: {  	_ =	shalt  }
0x70: {  	_ =	shalt  }
0x71: {  	_ =	shalt  }
0x72: {  	_ =	shalt  }
0x73: {  	_ =	shalt  }
0x74: {  	_ =	shalt  }
0x75: {  	_ =	shalt  }
0x76: {  	_ =	shalt  }
0x77: {  	_ =	shalt  }
0x78: {  	_ =	shalt  }
0x79: {  	_ =	shalt  }
0x7a: {  	_ =	shalt  }
0x7b: {  	_ =	shalt  }
0x7c: {  	_ =	shalt  }
0x7d: {  	_ =	shalt  }
0x7e: {  	_ =	shalt  }
0x7f: {  	_ =	shalt  }
0x80: {  	_ =	shalt  }
0x81: {  	_ =	shalt  }
0x82: {  	_ =	shalt  }
0x83: {  	_ =	shalt  }
0x84: {  	_ =	shalt  }
0x85: {  	_ =	shalt  }
0x86: {  	_ =	shalt  }
0x87: {  	_ =	shalt  }
.Lfunc_end0:
.L_simem_size_0:
called_computation_lowered:
.L_overlay_start_0:
0x88: {  	s2 =	sld [smem:$0x3FD9]  }
0x89: {  	s3 =	sld [smem:$0x3FFE];
	_ =	sdelay $0x1  }
0x8a: {  	s1 =	srdreg.scid  }
0x8b: {  	s0 =	sand.u32 $0x1, s1  }
0x8c: {  	s16 =	sshll.u32 s0, $0xA;
	s2 =	sadd.s32 s3, s2  }
0x8d: {  	s2 =	sadd.s32 s2, s16  }
0x8e: {  	[smem:$0x3FC5] =	sst s2  }
0x8f: {  	_ = 	snop  }
0x90: {  	(tm) =	ssettm $0x1  }
0x91: {  	s17 =	sld [smem:$0x3FFB];
	_ =	sdelay $0x3  }
0x92: {  	_ =	strace s17  }
0x93: {  	s2 =	sld [smem:$0x3FFC];
	_ =	sdelay $0x3  }
0x94: {  	_ =	strace s2  }
0x95: {  	s2 =	sld [smem:$0x3FFD];
	_ =	sdelay $0x3  }
0x96: {  	_ =	strace s2  }
0x97: {  	_ =	strace $0x8FFFFFFF  }
0x98: {  	s18 =	sld [smem:$0x3FDB];
	_ =	sdelay $0x1  }
0x99: {  	s19 =	simm.s32 $_scs_section_size  }
0x9a: {  	s4 =	simm.s32 $_size__tile_overlayer_lowered;
	s5 =	simm.s32 $_tile_overlayer_lowered  }
0x9b: {  	s22 =	simm.s32 $0x1BFF;
	s21 =	sshll.u32 s5, $0x1;
	s2 =	sadd.s32 s19, s18  }
0x9c: {  	s6 =	simm.s32 $0x0;
	s20 =	sshll.u32 s4, $0x1;
	s4 =	sadd.s32 s21, s2  }
0x9d: {  	[timem:s6], [sflag:s22] =	dma.local [hbm:s4], s20  }
0x9e: {  	_ =	swait.ge [sflag:s22], s20  }
0x9f: {  	s3 =	ssub.s32 $0x0, s20;
	[sflag:s22] =	ssyncset.done $0x0  }
0xa0: {  	[sflag:s22] =	ssyncadd.s32 s3;
	_ =	sdelay $0x1  }
0xa1: {  	s23 =	simm.s32 $0x1B8B  }
0xa2: {  	_ =	swait.ge [sflag:s23], $0x1  }
0xa3: {  	[sflag:s23] =	ssyncset.done $0x0  }
0xa4: {  	s25 =	simm.s32 $0x1B8E;
	s24 =	sld [smem:$0x3FFE];
	[sflag:s23] =	ssyncadd.s32 $0xFFFFFFFF  }
0xa5: {  	s26 =	simm.s32 $execute0_lowered;
	[smem:$0x3FD2] =	sst s25  }
0xa6: {  	s4 =	sshll.u32 s26, $0x1;
	_ =	strace $0x80000046;
	[dreg:$0x1] =	wrdreg $0xFFFFFFFF  }
0xa7: {  	s28 =	simm.s32 $_size_execute0_lowered;
	s2 =	sadd.s32 s2, s4;
	[dreg:$0x0] =	wrdreg $0x0  }
0xa8: {  	s4 =	sshll.u32 s28, $0x1;
	[dreg:$0x2] =	wrdreg s2  }
0xa9: {  	[dreg:$0x3] =	wrdreg s4  }
0xaa: {  	[dreg:$0x4] =	wrdreg $0xC0  }
0xab: {  	_ =	task [dreg:s6], $0x5FFFF  }
0xac: {  	[dreg:$0x1] =	wrdreg $0xFFFFFFFF  }
0xad: {  	[dreg:$0x0] =	wrdreg $0x60  }
0xae: {  	[dreg:$0x2] =	wrdreg s24  }
0xaf: {  	[dreg:$0x3] =	wrdreg $0x9  }
0xb0: {  	_ =	task.clear_ibuf [dreg:s6], $0x4FFFF;
	_ =	strace $0x90000046  }
0xb1: {  	s29 =	simm.s32 $0x9;
	_ =	strace $0x80000048  }
0xb2: {  	_ =	swait.ge [sflag:s29], $0x1  }
0xb3: {  	[sflag:s29] =	ssyncadd.s32 $0xFFFFFFFF  }
0xb4: {  	_ =	strace $0x90000048  }
0xb5: {  	_ =	sfence  }
0xb6: {  	s30 =	sld [smem:$0x0];
	_ =	sdelay $0x2  }
0xb7: {  	s31 =	sshll.u32 s1, $0xD;
	s1 =	sshrl.u32 s1, $0x2  }
0xb8: {  	s3 =	sand.u32 $0x4000, s31;
	s1 =	sadd.s32 s1, s30  }
0xb9: {  	s0 =	sor.u32 s3, s0;
	s1 =	sshll.u32 s1, $0x11  }
0xba: {  	s0 =	sor.u32 s1, s0  }
0xbb: {  	s0 =	sadd.s32 $0x8F2B, s0  }
0xbc: {  	[sflag:s0] =	ssyncadd.remote.s32 $0x1  }
0xbd: {  	_ =	sfence.sel $0xFFFF  }
0xbe: {  	[dreg:$0x0] =	wrdreg $0xFFFFFFFF;
	(pc) =	sbr.abs _section_cstart, $3  }
0xbf: {  	[dreg:$0x1] =	wrdreg $0xFFFFFFFF  }
0xc0: {  	_ =	task.clear_ibuf [dreg:s6], $0x2FFFF;
	_ =	strace $0x9FFFFFFF  }
0xc1: {  	(tm) =	ssettm $0x7FFFFFFF  }
tec
execute0_lowered:
.L_overlay_start_1:
0x0: {  	(tag) =	ssettag $0x1  }
0x1: {  	s1 =	srdreg.scid  }
0x2: {  	s0 =	stileid.u32;
	s9 =	rddreg [dreg:$0x0];
	s6 =	sand.u32 $0x1, s1  }
0x3: {  	s7 =	simm.s32 $0x80;
	s30 =	sshll.u32 s0, $0x6;
	s2 =	sshll.u32 s6, $0x5  }
0x4: {  	s8 =	simm.s32 $0x1;
	s1 =	rddreg [dreg:$0x1];
	s10 =	sor.u32 s2, s30  }
0x5: {  	s5 =	sadd.s32 $0x188600, s9;
	s2 =	simm.s32 $0x0;
	s3 =	sshrl.u32 s10, $0x3  }
0x6: {  	s11 =	ssub.s32 $0x2, s6;
	[smem:$0x7FF] =	sst s2;
	s3 =	sadd.s32 s3, s9  }
0x7: {  	_ =	strace $0x80000047;
	s4 =	sadd.s32 $0x1A00, s3;
	s3 =	simm.s32 $0x2  }
0x8: {  	[tilespmem:s2], [sflag:$0x2] =	stream.linear.gather [hbm4b:s4+s2], $0x20, $0x38;
	[tilespmem:$0x1080] =	vst v63  }
0x9: {  	s6 =	simm.s32 $0x20;
	s12 =	sshrl.u32 s11, $0x1;
	_ =	swait.ge [sflag:s3], $0x20  }
0xa: {  	s10 =	sshll.u32 s10, $0x4;
	s31 =	ssub.s32 s11, s12;
	[sflag:s3] =	ssyncset.done $0x0  }
0xb: {  	s9 =	sadd.s32 s10, s9;
	s10 =	smax.u32 s31, $0x1;
	[sflag:s3] =	ssyncadd.s32 $0xFFFFFFE0  }
0xc: {  	[tilespmem:s7], [sflag:$0x1] =	stream.indirect.gather [hbm4b:s5+s6], $0x80, s2, s6, $0xb8;
	[tilespmem:$0x1080] =	vst v63  }
0xd: {  	p0 =	sne.s32 s10, $0x1;
	_ =	swait.ge [sflag:s8], $0x1000  }
.Ltmp0:
0xe: {  	[sflag:s8] =	ssyncset.done $0x0;
	(pc) =	sbr.rel @!p0 .LBB2_2-.Ltmp0, $4  }
0xf: {  	s9 =	sadd.s32 $0x1C00, s9;
	[sflag:s8] =	ssyncadd.s32 $0xFFFFF000  }
0x10: {  	[hbm4b:s9+s2] =	stream.linear.scatter [tilespmem:s7], [sflag:$0x2], $0x1000, $0x38;
	[tilespmem:$0x1080] =	vst v63  }
0x11: {  	_ =	swait.ge [sflag:s3], $0x1000  }
0x12: {  	s10 =	sadd.s32 $0xFFFFFFFF, s10;
	[sflag:s3] =	ssyncset.done $0x0  }
.LBB2_1:
0x13: {  	p0 =	sne.s32 s10, $0x1;
	s10 =	sadd.s32 $0xFFFFFFFF, s10;
	[sflag:s3] =	ssyncadd.s32 $0xFFFFF000  }
0x14: {  	[tilespmem:s2], [sflag:$0x2] =	stream.linear.gather [hbm4b:s4+s2], $0x20, $0x38;
	[tilespmem:$0x1080] =	vst v63  }
0x15: {  	_ =	swait.ge [sflag:s3], $0x20  }
0x16: {  	[sflag:s3] =	ssyncset.done $0x0  }
0x17: {  	[sflag:s3] =	ssyncadd.s32 $0xFFFFFFE0  }
0x18: {  	[tilespmem:s7], [sflag:$0x1] =	stream.indirect.gather [hbm4b:s5+s6], $0x80, s2, s6, $0xb8;
	[tilespmem:$0x1080] =	vst v63  }
0x19: {  	_ =	swait.ge [sflag:s8], $0x1000  }
.Ltmp1:
0x1a: {  	[sflag:s8] =	ssyncset.done $0x0;
	(pc) =	sbr.rel @p0 .LBB2_1-.Ltmp1, $4  }
0x1b: {  	[sflag:s8] =	ssyncadd.s32 $0xFFFFF000  }
0x1c: {  	[hbm4b:s9+s2] =	stream.linear.scatter [tilespmem:s7], [sflag:$0x2], $0x1000, $0x38;
	[tilespmem:$0x1080] =	vst v63  }
0x1d: {  	_ =	swait.ge [sflag:s3], $0x1000  }
0x1e: {  	[sflag:s3] =	ssyncset.done $0x0  }
.LBB2_2:
0x1f: {  	[sflag:s3] =	ssyncadd.s32 $0xFFFFF000  }
0x20: {  	_ =	sfence.sel $0x180000  }
0x21: {  	[bflag:$0x0] =	sbarrier.arrive $0xFFFF  }
0x22: {  	p0 =	sne.s32 s0, $0x0;
	_ =	strace $0x90000047  }
0x23: {  	s0 =	sadd.s32 @!p0 $0x100000, s1;
	[bflag:$0x2] =	sbarrier.arrive $0xFFFF  }
0x24: {  	[sflag:s0] =	ssyncadd.tile.s32 @!p0 $0x1;
	_ =	shalt  }
.Lfunc_end2:
_tile_overlayer_lowered:
.L_overlay_start_2:
0x25: {  	(tag) =	ssettag $0x2  }
0x26: {  	s0 =	rddreg [dreg:$0x0];
	s2 =	stileid.u32  }
0x27: {  	s1 =	rddreg [dreg:$0x1];
	p0 =	sne.s32 s2, $0x0  }
0x28: {  	s3 =	rddreg [dreg:$0x2];
	[bflag:$0x3] =	sbarrier.arrive $0xFFFF;
	s2 =	simm.s32 @!p0 $0x1C02  }
0x29: {  	[timem:s3], [sflag:s2] =	dma.local @!p0 [hbm:s0], s1  }
0x2a: {  	s0 =	simm.s32 @!p0 $0x2  }
0x2b: {  	_ =	swait.ge @!p0 [sflag:s0], s1  }
0x2c: {  	s1 =	ssub.s32 @!p0 $0x0, s1;
	[sflag:s0] =	ssyncset.done @!p0 $0x0  }
0x2d: {  	[sflag:s0] =	ssyncadd.s32 @!p0 s1  }
0x2e: {  	[bflag:$0x3] =	sbarrier.arrive $0xFFFF  }
0x2f: {  	_ =	shalt  }

</sc_bundles>
